<compile_context>
chip_gen: v7x
topology: tpu7x:2x2x1
jax: 0.10.2.dev20260603
libtpu: 0.0.44.dev20260713+nightly
codegen_flags: <defaults>
</compile_context>

<pallas_src>
import functools

import jax
import jax.numpy as jnp
from jax import lax
from jax.experimental import pallas as pl
from jax.experimental.pallas import tpu as pltpu
from jax.experimental.pallas import tpu_sc as plsc

GRID_H = 32
GRID_W = 32
LATENT_DIM = 64
ALPHA = 1.0
TIME_DECAY = 0.9
MAX_SEQ_LEN = 4000

_ROW_BLOCK = 512
_SC_ROWS = 64


def _wz_d2(z, w, nodes):
    wz = z * w
    x2 = jnp.sum(wz * wz, axis=1, keepdims=True)
    n2 = jnp.sum(nodes * nodes, axis=1)[None, :]
    g = lax.dot_general(
        wz, nodes, (((1,), (1,)), ((), ())),
        precision=lax.Precision.HIGHEST,
        preferred_element_type=jnp.float32,
    )
    return (x2 + n2) - 2.0 * g


def _bmu_body(z_ref, w_ref, nodes_ref, comb_ref, bmu_ref, n01_ref):
    z = z_ref[0]
    nodes = nodes_ref[...]
    d2 = _wz_d2(z, w_ref[0], nodes)

    idx = lax.broadcasted_iota(jnp.int32, d2.shape, 1)
    md = jnp.min(d2, axis=1, keepdims=True)
    bmu = jnp.min(jnp.where(d2 == md, idx, jnp.int32(2 ** 30)), axis=1)
    bmu_ref[0, 0, :] = bmu

    somp_i = lax.bitcast_convert_type(z - 0.1 * z, jnp.int32)
    for j in range(_ROW_BLOCK // _SC_ROWS):
        comb_ref[j, 0:_SC_ROWS, :] = somp_i[j * _SC_ROWS:(j + 1) * _SC_ROWS, :]
        comb_ref[j, _SC_ROWS, :] = bmu[j * _SC_ROWS:(j + 1) * _SC_ROWS]

    @pl.when(pl.program_id(0) == 0)
    def _():
        n01_ref[...] = 0.1 * nodes


def _bmu_call(z, w3, nodes):
    b, t, d = z.shape
    n = b * t
    k = nodes.shape[0]
    r = _ROW_BLOCK
    nblk = n // r
    tiles_per_blk = r // _SC_ROWS
    return pl.pallas_call(
        _bmu_body,
        grid=(nblk,),
        in_specs=[
            pl.BlockSpec((1, r, d), lambda i: (i, 0, 0)),
            pl.BlockSpec((1, r, 1), lambda i: (0, 0, 0)),
            pl.BlockSpec((k, d), lambda i: (0, 0)),
        ],
        out_specs=[
            pl.BlockSpec((tiles_per_blk, _SC_ROWS + 8, d), lambda i: (i, 0, 0)),
            pl.BlockSpec((1, 1, r), lambda i: (i, 0, 0)),
            pl.BlockSpec((k, d), lambda i: (0, 0)),
        ],
        out_shape=[
            jax.ShapeDtypeStruct((nblk * tiles_per_blk, _SC_ROWS + 8, d), jnp.int32),
            jax.ShapeDtypeStruct((b, 1, t), jnp.int32),
            jax.ShapeDtypeStruct((k, d), jnp.float32),
        ],
    )(z, w3, nodes)


def _q_body(z_ref, w_ref, nodes_ref, q_ref, grid_ref):
    nodes = nodes_ref[...]
    d2 = _wz_d2(z_ref[0], w_ref[0], nodes)
    dist = jnp.sqrt(jnp.maximum(d2, 0.0))
    q = 1.0 / (1.0 + dist / ALPHA)
    q_ref[...] = q / jnp.maximum(jnp.sum(q, axis=1, keepdims=True), 1e-12)

    @pl.when(pl.program_id(0) == 0)
    def _():
        grid_ref[...] = nodes.reshape(GRID_H, GRID_W, -1)


def _q_call(z, w3, nodes):
    b, t, d = z.shape
    n = b * t
    k = nodes.shape[0]
    r = _ROW_BLOCK
    return pl.pallas_call(
        _q_body,
        grid=(n // r,),
        in_specs=[
            pl.BlockSpec((1, r, d), lambda i: (i, 0, 0)),
            pl.BlockSpec((1, r, 1), lambda i: (0, 0, 0)),
            pl.BlockSpec((k, d), lambda i: (0, 0)),
        ],
        out_specs=[
            pl.BlockSpec((r, k), lambda i: (i, 0)),
            pl.BlockSpec((GRID_H, GRID_W, d), lambda i: (0, 0, 0)),
        ],
        out_shape=[
            jax.ShapeDtypeStruct((n, k), jnp.float32),
            jax.ShapeDtypeStruct((GRID_H, GRID_W, d), jnp.float32),
        ],
    )(z, w3, nodes)


def _som_update_sc(nodes01, comb, b, t, d):
    info = plsc.get_sparse_core_info()
    nc, ns = info.num_cores, info.num_subcores
    nw = nc * ns
    bpw = _SC_ROWS
    tiles_per_b = t // bpw
    mesh = plsc.VectorSubcoreMesh(core_axis_name="c", subcore_axis_name="s")

    @functools.partial(
        pl.kernel,
        mesh=mesh,
        out_type=jax.ShapeDtypeStruct((b, t, d), jnp.float32),
        compiler_params=pltpu.CompilerParams(
            use_tc_tiling_on_sc=False, needs_layout_passes=False
        ),
        scratch_types=[
            pltpu.VMEM((bpw + 8, d), jnp.int32),
            pltpu.VMEM((bpw, d), jnp.float32),
            pltpu.SemaphoreType.DMA,
        ],
    )
    def sc_body(n01_hbm, comb_hbm, out_hbm, comb_v, acc_v, sem):
        wid = lax.axis_index("s") * nc + lax.axis_index("c")
        pltpu.sync_copy(comb_hbm.at[wid], comb_v)

        def row_body(rr, carry):
            for c in range(d // 16):
                sl = pl.ds(c * 16, 16)
                acc_v[rr, sl] = plsc.bitcast(comb_v[rr, sl], jnp.float32)
            return carry

        lax.fori_loop(0, bpw, row_body, 0)
        pltpu.async_copy(n01_hbm.at[comb_v.at[bpw]], acc_v, sem, add=True).wait()
        pltpu.sync_copy(
            acc_v, out_hbm.at[wid // tiles_per_b, pl.ds((wid % tiles_per_b) * bpw, bpw)]
        )

    return sc_body(nodes01, comb)


def kernel(z, nodes):
    b, t, d = z.shape
    ts = jnp.arange(MAX_SEQ_LEN, dtype=jnp.float32)
    decay = jnp.power(jnp.float32(TIME_DECAY), jnp.float32(MAX_SEQ_LEN) - ts - 1.0)
    w3 = decay[MAX_SEQ_LEN - t:].reshape(1, t, 1)

    comb, bmu_b, nodes01 = _bmu_call(z, w3, nodes)
    som_z = _som_update_sc(nodes01, comb, b, t, d)
    q, nodes_grid = _q_call(z, w3, nodes)
    bmu_indices = bmu_b.reshape(b, t)
    return som_z, q, bmu_indices, nodes_grid

# --- scband reference (transcript-rebuilt; emitter-appended) ---
"""Pipeline reference for scband-somlayer-71193377898768 (READ-ONLY COPY).

The authoritative reference and input builder live on the scoring server;
editing this copy changes nothing except your own understanding.
"""

import jax, jax.numpy as jnp
import numpy as np

GRID = (32, 32)
LATENT_DIM = 64
ALPHA = 1.0
TIME_DECAY = 0.9
MAX_SEQ_LEN = 4000


def setup_inputs(seed: int = 0) -> dict:
    key = jax.random.key(seed)
    k1, k2 = jax.random.split(key)
    z = jax.random.normal(k1, (4, 512, LATENT_DIM), dtype=jnp.float32)
    n_nodes = GRID[0] * GRID[1]
    # xavier_uniform init for nodes parameter [n_nodes, latent_dim]
    limit = float(np.sqrt(6.0 / (n_nodes + LATENT_DIM)))
    nodes = jax.random.uniform(k2, (n_nodes, LATENT_DIM), minval=-limit, maxval=limit, dtype=jnp.float32)
    return {"z": z, "nodes": nodes}


def reference(z, nodes):
    b, t, d = z.shape
    # time decay buffer: decay[t] = TIME_DECAY ** (MAX_SEQ_LEN - t - 1), shape (1, MAX_SEQ_LEN, 1)
    ts = jnp.arange(MAX_SEQ_LEN, dtype=jnp.float32)
    decay = jnp.power(jnp.float32(TIME_DECAY), jnp.float32(MAX_SEQ_LEN) - ts - 1.0)
    time_weights = decay.reshape(1, MAX_SEQ_LEN, 1)[:, MAX_SEQ_LEN - t:, :]
    weighted_z = z * time_weights
    z_flat = weighted_z.reshape(-1, d)               # (b*t, d)
    nodes_flat = nodes.reshape(-1, d)                # (K, d)
    diff = z_flat[:, None, :] - nodes_flat[None, :, :]  # (b*t, K, d)
    dists = jnp.sqrt(jnp.sum(diff * diff, axis=-1))     # (b*t, K)  == torch.norm(p=2)
    q = 1.0 / jnp.power(1.0 + dists / ALPHA, (ALPHA + 1.0) / 2.0)
    # F.normalize(q, p=1, dim=-1): divide by max(L1 norm, eps)
    denom = jnp.maximum(jnp.sum(jnp.abs(q), axis=-1, keepdims=True), 1e-12)
    q = q / denom
    bmu_flat = jnp.argmin(dists, axis=-1)            # (b*t,)
    bmu_indices = bmu_flat.reshape(b, t)
    gathered = jnp.take(nodes_flat, bmu_flat, axis=0).reshape(z.shape)
    som_z = z + 0.1 * (gathered - z)
    nodes_grid = nodes.reshape(GRID[0], GRID[1], -1)
    return som_z, q, bmu_indices, nodes_grid

if __name__ == "__main__":
    import jax
    _d = setup_inputs()
    print(jax.jit(kernel)(*tuple(_d.values())))

</pallas_src>

<mosaic_0001>
#map = affine_map<(d0, d1) -> (0, 0)>
#map1 = affine_map<(d0, d1) -> (0, 0, 0)>
module attributes {stable_mosaic.version = 14 : i64} {
  func.func @sc_body(%arg0: i32, %arg1: i32, %arg2: memref<1024x64xf32, #tpu.memory_space<hbm>>, %arg3: memref<32x72x64xi32, #tpu.memory_space<hbm>>, %arg4: memref<4x512x64xf32, #tpu.memory_space<hbm>>, %arg5: memref<72x64xi32, #tpu.memory_space<vmem>>, %arg6: memref<64x64xf32, #tpu.memory_space<vmem>>, %arg7: memref<!tpu.dma_semaphore, #tpu.memory_space<semaphore_mem>>) attributes {dimension_semantics = [#tpu.dimension_semantics<core_parallel>, #tpu.dimension_semantics<subcore_parallel>], iteration_bounds = array<i64: 2, 16>, scalar_prefetch = 0 : i64, scratch_operands = 3 : i64, tpu.core_type = #tpu.core_type<sc_vector_subcore>, window_params = [{transform_indices = #map}, {transform_indices = #map1}, {transform_indices = #map1}]} {
    %mul3A = arith.constant 2 : i32
    %mul3A_0 = arith.muli %arg1, %mul3A : i32
    %add3A = arith.addi %mul3A_0, %arg0 : i32
    "tpu.region"() ({
      %run_scoped3A = tpu.sem_alloc : memref<!tpu.dma_semaphore, #tpu.memory_space<semaphore_mem>>
      %dma_start3A_50 = arith.constant 0 : i32
      %dma_start3A_51 = arith.constant 0 : i32
      %dma_start3A_52 = tpu.memref_slice %arg3[%add3A, %dma_start3A_50, %dma_start3A_51] : memref<32x72x64xi32, #tpu.memory_space<hbm>> -> memref<1x72x64xi32, #tpu.memory_space<hbm>>
      %dma_start3A_53 = tpu.memref_squeeze %dma_start3A_52 : memref<1x72x64xi32, #tpu.memory_space<hbm>> -> memref<72x64xi32, #tpu.memory_space<hbm>>
      %dma_start3A_54 = arith.constant 0 : i32
      %dma_start3A_55 = arith.constant 0 : i32
      %dma_start3A_56 = tpu.memref_slice %arg3[%add3A, %dma_start3A_54, %dma_start3A_55] : memref<32x72x64xi32, #tpu.memory_space<hbm>> -> memref<1x72x64xi32, #tpu.memory_space<hbm>>
      %dma_start3A_57 = tpu.memref_squeeze %dma_start3A_56 : memref<1x72x64xi32, #tpu.memory_space<hbm>> -> memref<72x64xi32, #tpu.memory_space<hbm>>
      tpu.enqueue_dma source(%dma_start3A_57 : memref<72x64xi32, #tpu.memory_space<hbm>>) target(%arg5 : memref<72x64xi32, #tpu.memory_space<vmem>>) target_semaphore(%run_scoped3A : memref<!tpu.dma_semaphore, #tpu.memory_space<semaphore_mem>>)
      %dma_wait3A_58 = arith.constant 0 : i32
      %dma_wait3A_59 = arith.constant 0 : i32
      %dma_wait3A_60 = tpu.memref_slice %arg3[%add3A, %dma_wait3A_58, %dma_wait3A_59] : memref<32x72x64xi32, #tpu.memory_space<hbm>> -> memref<1x72x64xi32, #tpu.memory_space<hbm>>
      %dma_wait3A_61 = tpu.memref_squeeze %dma_wait3A_60 : memref<1x72x64xi32, #tpu.memory_space<hbm>> -> memref<72x64xi32, #tpu.memory_space<hbm>>
      %dma_wait3A_62 = arith.constant 0 : i32
      %dma_wait3A_63 = arith.constant 0 : i32
      %dma_wait3A_64 = tpu.memref_slice %arg3[%add3A, %dma_wait3A_62, %dma_wait3A_63] : memref<32x72x64xi32, #tpu.memory_space<hbm>> -> memref<1x72x64xi32, #tpu.memory_space<hbm>>
      %dma_wait3A_65 = tpu.memref_squeeze %dma_wait3A_64 : memref<1x72x64xi32, #tpu.memory_space<hbm>> -> memref<72x64xi32, #tpu.memory_space<hbm>>
      tpu.wait_dma2 semaphore(%run_scoped3A : memref<!tpu.dma_semaphore, #tpu.memory_space<semaphore_mem>>) src(%dma_wait3A_65 : memref<72x64xi32, #tpu.memory_space<hbm>>) dst(%arg5 : memref<72x64xi32, #tpu.memory_space<vmem>>)
      tpu.yield
    }) : () -> ()
    %scan3A = arith.constant 0 : i32
    %scan3A_1 = arith.constant 0 : i32
    %scan3A_2 = arith.constant 64 : i32
    %scan3A_3 = arith.addi %scan3A_1, %scan3A_2 : i32
    %scan3A_4 = arith.constant 1 : i32
    scf.for %scan3A_50 = %scan3A_1 to %scan3A_3 step %scan3A_4  : i32 {
      %get3A = arith.index_cast %scan3A_50 : i32 to index
      %get3A_51 = arith.constant 0 : index
      %get3A_52 = tpu.vector_load %arg5[%get3A, %get3A_51] {strides = array<i32>} : memref<72x64xi32, #tpu.memory_space<vmem>>, vector<16xi32>,
      %bitcast3A = vector.bitcast %get3A_52 : vector<16xi32> to vector<16xf32>
      %swap3A = arith.index_cast %scan3A_50 : i32 to index
      %swap3A_53 = arith.constant 0 : index
      %swap3A_54 = tpu.vector_load %arg6[%swap3A, %swap3A_53] {strides = array<i32>} : memref<64x64xf32, #tpu.memory_space<vmem>>, vector<16xf32>,
      tpu.vector_store %arg6[%swap3A, %swap3A_53], %bitcast3A {strides = array<i32>} : memref<64x64xf32, #tpu.memory_space<vmem>>, vector<16xf32>,
      %get3A_55 = arith.index_cast %scan3A_50 : i32 to index
      %get3A_56 = arith.constant 16 : index
      %get3A_57 = tpu.vector_load %arg5[%get3A_55, %get3A_56] {strides = array<i32>} : memref<72x64xi32, #tpu.memory_space<vmem>>, vector<16xi32>,
      %bitcast3A_58 = vector.bitcast %get3A_57 : vector<16xi32> to vector<16xf32>
      %swap3A_59 = arith.index_cast %scan3A_50 : i32 to index
      %swap3A_60 = arith.constant 16 : index
      %swap3A_61 = tpu.vector_load %arg6[%swap3A_59, %swap3A_60] {strides = array<i32>} : memref<64x64xf32, #tpu.memory_space<vmem>>, vector<16xf32>,
      tpu.vector_store %arg6[%swap3A_59, %swap3A_60], %bitcast3A_58 {strides = array<i32>} : memref<64x64xf32, #tpu.memory_space<vmem>>, vector<16xf32>,
      %get3A_62 = arith.index_cast %scan3A_50 : i32 to index
      %get3A_63 = arith.constant 32 : index
      %get3A_64 = tpu.vector_load %arg5[%get3A_62, %get3A_63] {strides = array<i32>} : memref<72x64xi32, #tpu.memory_space<vmem>>, vector<16xi32>,
      %bitcast3A_65 = vector.bitcast %get3A_64 : vector<16xi32> to vector<16xf32>
      %swap3A_66 = arith.index_cast %scan3A_50 : i32 to index
      %swap3A_67 = arith.constant 32 : index
      %swap3A_68 = tpu.vector_load %arg6[%swap3A_66, %swap3A_67] {strides = array<i32>} : memref<64x64xf32, #tpu.memory_space<vmem>>, vector<16xf32>,
      tpu.vector_store %arg6[%swap3A_66, %swap3A_67], %bitcast3A_65 {strides = array<i32>} : memref<64x64xf32, #tpu.memory_space<vmem>>, vector<16xf32>,
      %get3A_69 = arith.index_cast %scan3A_50 : i32 to index
      %get3A_70 = arith.constant 48 : index
      %get3A_71 = tpu.vector_load %arg5[%get3A_69, %get3A_70] {strides = array<i32>} : memref<72x64xi32, #tpu.memory_space<vmem>>, vector<16xi32>,
      %bitcast3A_72 = vector.bitcast %get3A_71 : vector<16xi32> to vector<16xf32>
      %swap3A_73 = arith.index_cast %scan3A_50 : i32 to index
      %swap3A_74 = arith.constant 48 : index
      %swap3A_75 = tpu.vector_load %arg6[%swap3A_73, %swap3A_74] {strides = array<i32>} : memref<64x64xf32, #tpu.memory_space<vmem>>, vector<16xf32>,
      tpu.vector_store %arg6[%swap3A_73, %swap3A_74], %bitcast3A_72 {strides = array<i32>} : memref<64x64xf32, #tpu.memory_space<vmem>>, vector<16xf32>,
    }
    %scan3A_5 = arith.constant 64 : i32
    %dma_start3A = arith.constant 64 : i32
    %dma_start3A_6 = arith.constant 0 : i32
    %dma_start3A_7 = tpu.memref_slice %arg5[%dma_start3A, %dma_start3A_6] : memref<72x64xi32, #tpu.memory_space<vmem>> -> memref<1x64xi32, #tpu.memory_space<vmem>>
    %dma_start3A_8 = tpu.memref_squeeze %dma_start3A_7 : memref<1x64xi32, #tpu.memory_space<vmem>> -> memref<64xi32, #tpu.memory_space<vmem>>
    %dma_start3A_9 = arith.constant 0 : i32
    %dma_start3A_10 = arith.constant 0 : i32
    %dma_start3A_11 = tpu.memref_slice %arg2[%dma_start3A_9, %dma_start3A_10] : memref<1024x64xf32, #tpu.memory_space<hbm>> -> memref<1024x64xf32, #tpu.memory_space<hbm>>
    tpu.enqueue_indirect_dma source(%dma_start3A_11 : memref<1024x64xf32, #tpu.memory_space<hbm>>) target(%arg6 : memref<64x64xf32, #tpu.memory_space<vmem>>) offsets(%dma_start3A_8 : memref<64xi32, #tpu.memory_space<vmem>>) semaphore(%arg7 : memref<!tpu.dma_semaphore, #tpu.memory_space<semaphore_mem>>) {add = true}
    %dma_wait3A = arith.constant 64 : i32
    %dma_wait3A_12 = arith.constant 0 : i32
    %dma_wait3A_13 = tpu.memref_slice %arg5[%dma_wait3A, %dma_wait3A_12] : memref<72x64xi32, #tpu.memory_space<vmem>> -> memref<1x64xi32, #tpu.memory_space<vmem>>
    %dma_wait3A_14 = tpu.memref_squeeze %dma_wait3A_13 : memref<1x64xi32, #tpu.memory_space<vmem>> -> memref<64xi32, #tpu.memory_space<vmem>>
    %dma_wait3A_15 = arith.constant 0 : i32
    %dma_wait3A_16 = arith.constant 0 : i32
    %dma_wait3A_17 = tpu.memref_slice %arg2[%dma_wait3A_15, %dma_wait3A_16] : memref<1024x64xf32, #tpu.memory_space<hbm>> -> memref<1024x64xf32, #tpu.memory_space<hbm>>
    tpu.wait_indirect_dma semaphore(%arg7 : memref<!tpu.dma_semaphore, #tpu.memory_space<semaphore_mem>>) src(%dma_wait3A_17 : memref<1024x64xf32, #tpu.memory_space<hbm>>) dst(%arg6 : memref<64x64xf32, #tpu.memory_space<vmem>>)
    %jit3A = arith.constant 8 : i32
    %div3A = arith.divsi %add3A, %jit3A : i32
    %sign3A = arith.constant 0 : i32
    %sign3A_18 = arith.cmpi sgt, %add3A, %sign3A : i32
    %sign3A_19 = arith.extui %sign3A_18 : i1 to i32
    %sign3A_20 = arith.constant 0 : i32
    %sign3A_21 = arith.cmpi slt, %add3A, %sign3A_20 : i32
    %sign3A_22 = arith.extui %sign3A_21 : i1 to i32
    %sign3A_23 = arith.subi %sign3A_19, %sign3A_22 : i32
    %sign3A_24 = arith.constant 0 : i32
    %sign3A_25 = arith.cmpi sgt, %jit3A, %sign3A_24 : i32
    %sign3A_26 = arith.extui %sign3A_25 : i1 to i32
    %sign3A_27 = arith.constant 0 : i32
    %sign3A_28 = arith.cmpi slt, %jit3A, %sign3A_27 : i32
    %sign3A_29 = arith.extui %sign3A_28 : i1 to i32
    %sign3A_30 = arith.subi %sign3A_26, %sign3A_29 : i32
    %ne3A = arith.cmpi ne, %sign3A_23, %sign3A_30 : i32
    %rem3A = arith.remsi %add3A, %jit3A : i32
    %ne3A_31 = arith.constant 0 : i32
    %ne3A_32 = arith.cmpi ne, %rem3A, %ne3A_31 : i32
    %and3A = arith.andi %ne3A, %ne3A_32 : i1
    %sub3A = arith.constant 1 : i32
    %sub3A_33 = arith.subi %div3A, %sub3A : i32
    %select_n3A = arith.select %and3A, %sub3A_33, %div3A : i32
    %jit3A_34 = arith.constant 8 : i32
    %eq3A = arith.constant 0 : i32
    %eq3A_35 = arith.cmpi eq, %jit3A_34, %eq3A : i32
    %jit3A_36 = arith.constant 1 : i32
    %select_n3A_37 = arith.select %eq3A_35, %jit3A_36, %jit3A_34 : i32
    %rem3A_38 = arith.remsi %add3A, %select_n3A_37 : i32
    %ne3A_39 = arith.constant 0 : i32
    %ne3A_40 = arith.cmpi ne, %rem3A_38, %ne3A_39 : i32
    %lt3A = arith.constant 0 : i32
    %lt3A_41 = arith.cmpi slt, %rem3A_38, %lt3A : i32
    %lt3A_42 = arith.constant 0 : i32
    %lt3A_43 = arith.cmpi slt, %select_n3A_37, %lt3A_42 : i32
    %ne3A_44 = arith.xori %lt3A_41, %lt3A_43 : i1
    %and3A_45 = arith.andi %ne3A_44, %ne3A_40 : i1
    %add3A_46 = arith.addi %rem3A_38, %select_n3A_37 : i32
    %select_n3A_47 = arith.select %and3A_45, %add3A_46, %rem3A_38 : i32
    %mul3A_48 = arith.constant 64 : i32
    %mul3A_49 = arith.muli %select_n3A_47, %mul3A_48 : i32
    "tpu.region"() ({
      %run_scoped3A = tpu.sem_alloc : memref<!tpu.dma_semaphore, #tpu.memory_space<semaphore_mem>>
      %dma_start3A_50 = arith.constant 0 : i32
      %dma_start3A_51 = tpu.memref_slice %arg4[%select_n3A, %mul3A_49, %dma_start3A_50] : memref<4x512x64xf32, #tpu.memory_space<hbm>> -> memref<1x64x64xf32, #tpu.memory_space<hbm>>
      %dma_start3A_52 = tpu.memref_squeeze %dma_start3A_51 : memref<1x64x64xf32, #tpu.memory_space<hbm>> -> memref<64x64xf32, #tpu.memory_space<hbm>>
      %dma_start3A_53 = arith.constant 0 : i32
      %dma_start3A_54 = tpu.memref_slice %arg4[%select_n3A, %mul3A_49, %dma_start3A_53] : memref<4x512x64xf32, #tpu.memory_space<hbm>> -> memref<1x64x64xf32, #tpu.memory_space<hbm>>
      %dma_start3A_55 = tpu.memref_squeeze %dma_start3A_54 : memref<1x64x64xf32, #tpu.memory_space<hbm>> -> memref<64x64xf32, #tpu.memory_space<hbm>>
      tpu.enqueue_dma source(%arg6 : memref<64x64xf32, #tpu.memory_space<vmem>>) target(%dma_start3A_55 : memref<64x64xf32, #tpu.memory_space<hbm>>) target_semaphore(%run_scoped3A : memref<!tpu.dma_semaphore, #tpu.memory_space<semaphore_mem>>)
      %dma_wait3A_56 = arith.constant 0 : i32
      %dma_wait3A_57 = tpu.memref_slice %arg4[%select_n3A, %mul3A_49, %dma_wait3A_56] : memref<4x512x64xf32, #tpu.memory_space<hbm>> -> memref<1x64x64xf32, #tpu.memory_space<hbm>>
      %dma_wait3A_58 = tpu.memref_squeeze %dma_wait3A_57 : memref<1x64x64xf32, #tpu.memory_space<hbm>> -> memref<64x64xf32, #tpu.memory_space<hbm>>
      %dma_wait3A_59 = arith.constant 0 : i32
      %dma_wait3A_60 = tpu.memref_slice %arg4[%select_n3A, %mul3A_49, %dma_wait3A_59] : memref<4x512x64xf32, #tpu.memory_space<hbm>> -> memref<1x64x64xf32, #tpu.memory_space<hbm>>
      %dma_wait3A_61 = tpu.memref_squeeze %dma_wait3A_60 : memref<1x64x64xf32, #tpu.memory_space<hbm>> -> memref<64x64xf32, #tpu.memory_space<hbm>>
      tpu.wait_dma2 semaphore(%run_scoped3A : memref<!tpu.dma_semaphore, #tpu.memory_space<semaphore_mem>>) src(%arg6 : memref<64x64xf32, #tpu.memory_space<vmem>>) dst(%dma_wait3A_61 : memref<64x64xf32, #tpu.memory_space<hbm>>)
      tpu.yield
    }) : () -> ()
    return
  }
}

module attributes {stable_mosaic.version = 14 : i64} {
  func.func @_bmu_body(%arg0: i32, %arg1: memref<1x512x64xf32, #tpu.memory_space<vmem>>, %arg2: memref<1x512x1xf32, #tpu.memory_space<vmem>>, %arg3: memref<1024x64xf32, #tpu.memory_space<vmem>>, %arg4: memref<8x72x64xi32, #tpu.memory_space<vmem>>, %arg5: memref<1x1x512xi32, #tpu.memory_space<vmem>>, %arg6: memref<1024x64xf32, #tpu.memory_space<vmem>>) attributes {dimension_semantics = [#tpu.dimension_semantics<arbitrary>], iteration_bounds = array<i64: 4>, scalar_prefetch = 0 : i64, scratch_operands = 0 : i64, tpu.core_type = #tpu.core_type<tc>, window_params = [{transform_indices = @transform_0, window_bounds = array<i64: 1, 512, 64>}, {pipeline_mode = #tpu.pipeline_mode<synchronous>, transform_indices = @transform_1, window_bounds = array<i64: 1, 512, 1>}, {pipeline_mode = #tpu.pipeline_mode<synchronous>, transform_indices = @transform_2, window_bounds = array<i64: 1024, 64>}, {transform_indices = @transform_3, window_bounds = array<i64: 8, 72, 64>}, {transform_indices = @transform_4, window_bounds = array<i64: 1, 1, 512>}, {pipeline_mode = #tpu.pipeline_mode<synchronous>, transform_indices = @transform_5, window_bounds = array<i64: 1024, 64>}]} {
    %get3A = arith.constant 0 : index
    %get3A_0 = arith.constant 0 : index
    %get3A_1 = arith.constant 0 : index
    %get3A_2 = vector.load %arg1[%get3A, %get3A_0, %get3A_1] : memref<1x512x64xf32, #tpu.memory_space<vmem>>, vector<1x512x64xf32>
    %get3A_3 = vector.shape_cast %get3A_2 : vector<1x512x64xf32> to vector<512x64xf32>
    %get3A_4 = arith.constant 0 : index
    %get3A_5 = arith.constant 0 : index
    %get3A_6 = vector.load %arg3[%get3A_4, %get3A_5] : memref<1024x64xf32, #tpu.memory_space<vmem>>, vector<1024x64xf32>
    %get3A_7 = arith.constant 0 : index
    %get3A_8 = arith.constant 0 : index
    %get3A_9 = arith.constant 0 : index
    %get3A_10 = vector.load %arg2[%get3A_7, %get3A_8, %get3A_9] : memref<1x512x1xf32, #tpu.memory_space<vmem>>, vector<1x512x1xf32>
    %get3A_11 = vector.shape_cast %get3A_10 : vector<1x512x1xf32> to vector<512x1xf32>
    %mul3A = vector.broadcast %get3A_11 : vector<512x1xf32> to vector<512x64xf32>
    %mul3A_12 = arith.mulf %get3A_3, %mul3A : vector<512x64xf32>
    %mul3A_13 = arith.mulf %mul3A_12, %mul3A_12 : vector<512x64xf32>
    %reduce_sum3A = arith.constant dense<0.000000e+00> : vector<512xf32>
    %reduce_sum3A_14 = vector.multi_reduction <add>, %mul3A_13, %reduce_sum3A [1] : vector<512x64xf32> to vector<512xf32>
    %broadcast_in_dim3A = vector.shape_cast %reduce_sum3A_14 : vector<512xf32> to vector<512x1xf32>
    %mul3A_15 = arith.mulf %get3A_6, %get3A_6 : vector<1024x64xf32>
    %reduce_sum3A_16 = arith.constant dense<0.000000e+00> : vector<1024xf32>
    %reduce_sum3A_17 = vector.multi_reduction <add>, %mul3A_15, %reduce_sum3A_16 [1] : vector<1024x64xf32> to vector<1024xf32>
    %broadcast_in_dim3A_18 = vector.shape_cast %reduce_sum3A_17 : vector<1024xf32> to vector<1x1024xf32>
    %dot_general3A = arith.constant dense<0.000000e+00> : vector<512x1024xf32>
    %dot_general3A_19 = tpu.matmul %mul3A_12, %get3A_6, %dot_general3A {dimension_numbers = #tpu.dot_dimension_numbers<[1], [1], [0], [0], [0, 0, 1, 0], [], []>, precision = #tpu.contract_precision<fp32>, transpose_lhs_hint = false} : vector<512x64xf32>, vector<1024x64xf32>, vector<512x1024xf32> -> vector<512x1024xf32>
    %add3A = vector.broadcast %broadcast_in_dim3A : vector<512x1xf32> to vector<512x1024xf32>
    %add3A_20 = vector.broadcast %broadcast_in_dim3A_18 : vector<1x1024xf32> to vector<512x1024xf32>
    %add3A_21 = arith.addf %add3A, %add3A_20 : vector<512x1024xf32>
    %mul3A_22 = arith.constant 2.000000e+00 : f32
    %mul3A_23 = vector.broadcast %mul3A_22 : f32 to vector<512x1024xf32>
    %mul3A_24 = arith.mulf %mul3A_23, %dot_general3A_19 : vector<512x1024xf32>
    %sub3A = arith.subf %add3A_21, %mul3A_24 : vector<512x1024xf32>
    %iota3A = tpu.iota {dimensions = array<i32: 1>} : vector<512x1024xi32>
    %reduce_min3A = arith.constant dense<0x7F800000> : vector<512xf32>
    %reduce_min3A_25 = vector.multi_reduction <minimumf>, %sub3A, %reduce_min3A [1] : vector<512x1024xf32> to vector<512xf32>
    %broadcast_in_dim3A_26 = vector.shape_cast %reduce_min3A_25 : vector<512xf32> to vector<512x1xf32>
    %eq3A = vector.broadcast %broadcast_in_dim3A_26 : vector<512x1xf32> to vector<512x1024xf32>
    %eq3A_27 = arith.cmpf oeq, %sub3A, %eq3A : vector<512x1024xf32>
    %jit3A = arith.constant 1073741824 : i32
    %broadcast_in_dim3A_28 = vector.broadcast %jit3A : i32 to vector<512x1024xi32>
    %select_n3A = arith.select %eq3A_27, %iota3A, %broadcast_in_dim3A_28 : vector<512x1024xi1>, vector<512x1024xi32>
    %reduce_min3A_29 = arith.constant dense<2147483647> : vector<512xi32>
    %reduce_min3A_30 = vector.multi_reduction <minsi>, %select_n3A, %reduce_min3A_29 [1] : vector<512x1024xi32> to vector<512xi32>
    %swap3A = arith.constant 0 : index
    %swap3A_31 = arith.constant 0 : index
    %swap3A_32 = arith.constant 0 : index
    %swap3A_33 = vector.load %arg5[%swap3A, %swap3A_31, %swap3A_32] : memref<1x1x512xi32, #tpu.memory_space<vmem>>, vector<1x1x512xi32>
    %swap3A_34 = vector.shape_cast %swap3A_33 : vector<1x1x512xi32> to vector<512xi32>
    %swap3A_35 = vector.shape_cast %reduce_min3A_30 : vector<512xi32> to vector<1x1x512xi32>
    tpu.vector_store %arg5[%swap3A, %swap3A_31, %swap3A_32], %swap3A_35 {strides = array<i32>} : memref<1x1x512xi32, #tpu.memory_space<vmem>>, vector<1x1x512xi32>,
    %mul3A_36 = arith.constant 1.000000e-01 : f32
    %mul3A_37 = vector.broadcast %mul3A_36 : f32 to vector<512x64xf32>
    %mul3A_38 = arith.mulf %mul3A_37, %get3A_3 : vector<512x64xf32>
    %sub3A_39 = arith.subf %get3A_3, %mul3A_38 : vector<512x64xf32>
    %bitcast_convert_type3A = tpu.bitcast %sub3A_39 : vector<512x64xf32> -> vector<512x64xi32>
    %slice3A = vector.extract_strided_slice %bitcast_convert_type3A {offsets = [0, 0], sizes = [64, 64], strides = [1, 1]} : vector<512x64xi32> to vector<64x64xi32>
    %swap3A_40 = arith.constant 0 : index
    %swap3A_41 = arith.constant 0 : index
    %swap3A_42 = arith.constant 0 : index
    %swap3A_43 = vector.load %arg4[%swap3A_40, %swap3A_41, %swap3A_42] : memref<8x72x64xi32, #tpu.memory_space<vmem>>, vector<1x64x64xi32>
    %swap3A_44 = vector.shape_cast %swap3A_43 : vector<1x64x64xi32> to vector<64x64xi32>
    %swap3A_45 = vector.shape_cast %slice3A : vector<64x64xi32> to vector<1x64x64xi32>
    tpu.vector_store %arg4[%swap3A_40, %swap3A_41, %swap3A_42], %swap3A_45 {strides = array<i32>} : memref<8x72x64xi32, #tpu.memory_space<vmem>>, vector<1x64x64xi32>,
    %slice3A_46 = vector.extract_strided_slice %reduce_min3A_30 {offsets = [0], sizes = [64], strides = [1]} : vector<512xi32> to vector<64xi32>
    %swap3A_47 = arith.constant 0 : index
    %swap3A_48 = arith.constant 64 : index
    %swap3A_49 = arith.constant 0 : index
    %swap3A_50 = vector.load %arg4[%swap3A_47, %swap3A_48, %swap3A_49] : memref<8x72x64xi32, #tpu.memory_space<vmem>>, vector<1x1x64xi32>
    %swap3A_51 = vector.shape_cast %swap3A_50 : vector<1x1x64xi32> to vector<64xi32>
    %swap3A_52 = vector.shape_cast %slice3A_46 : vector<64xi32> to vector<1x1x64xi32>
    tpu.vector_store %arg4[%swap3A_47, %swap3A_48, %swap3A_49], %swap3A_52 {strides = array<i32>} : memref<8x72x64xi32, #tpu.memory_space<vmem>>, vector<1x1x64xi32>,
    %slice3A_53 = vector.extract_strided_slice %bitcast_convert_type3A {offsets = [64, 0], sizes = [64, 64], strides = [1, 1]} : vector<512x64xi32> to vector<64x64xi32>
    %swap3A_54 = arith.constant 1 : index
    %swap3A_55 = arith.constant 0 : index
    %swap3A_56 = arith.constant 0 : index
    %swap3A_57 = vector.load %arg4[%swap3A_54, %swap3A_55, %swap3A_56] : memref<8x72x64xi32, #tpu.memory_space<vmem>>, vector<1x64x64xi32>
    %swap3A_58 = vector.shape_cast %swap3A_57 : vector<1x64x64xi32> to vector<64x64xi32>
    %swap3A_59 = vector.shape_cast %slice3A_53 : vector<64x64xi32> to vector<1x64x64xi32>
    tpu.vector_store %arg4[%swap3A_54, %swap3A_55, %swap3A_56], %swap3A_59 {strides = array<i32>} : memref<8x72x64xi32, #tpu.memory_space<vmem>>, vector<1x64x64xi32>,
    %slice3A_60 = vector.extract_strided_slice %reduce_min3A_30 {offsets = [64], sizes = [64], strides = [1]} : vector<512xi32> to vector<64xi32>
    %swap3A_61 = arith.constant 1 : index
    %swap3A_62 = arith.constant 64 : index
    %swap3A_63 = arith.constant 0 : index
    %swap3A_64 = vector.load %arg4[%swap3A_61, %swap3A_62, %swap3A_63] : memref<8x72x64xi32, #tpu.memory_space<vmem>>, vector<1x1x64xi32>
    %swap3A_65 = vector.shape_cast %swap3A_64 : vector<1x1x64xi32> to vector<64xi32>
    %swap3A_66 = vector.shape_cast %slice3A_60 : vector<64xi32> to vector<1x1x64xi32>
    tpu.vector_store %arg4[%swap3A_61, %swap3A_62, %swap3A_63], %swap3A_66 {strides = array<i32>} : memref<8x72x64xi32, #tpu.memory_space<vmem>>, vector<1x1x64xi32>,
    %slice3A_67 = vector.extract_strided_slice %bitcast_convert_type3A {offsets = [128, 0], sizes = [64, 64], strides = [1, 1]} : vector<512x64xi32> to vector<64x64xi32>
    %swap3A_68 = arith.constant 2 : index
    %swap3A_69 = arith.constant 0 : index
    %swap3A_70 = arith.constant 0 : index
    %swap3A_71 = vector.load %arg4[%swap3A_68, %swap3A_69, %swap3A_70] : memref<8x72x64xi32, #tpu.memory_space<vmem>>, vector<1x64x64xi32>
    %swap3A_72 = vector.shape_cast %swap3A_71 : vector<1x64x64xi32> to vector<64x64xi32>
    %swap3A_73 = vector.shape_cast %slice3A_67 : vector<64x64xi32> to vector<1x64x64xi32>
    tpu.vector_store %arg4[%swap3A_68, %swap3A_69, %swap3A_70], %swap3A_73 {strides = array<i32>} : memref<8x72x64xi32, #tpu.memory_space<vmem>>, vector<1x64x64xi32>,
    %slice3A_74 = vector.extract_strided_slice %reduce_min3A_30 {offsets = [128], sizes = [64], strides = [1]} : vector<512xi32> to vector<64xi32>
    %swap3A_75 = arith.constant 2 : index
    %swap3A_76 = arith.constant 64 : index
    %swap3A_77 = arith.constant 0 : index
    %swap3A_78 = vector.load %arg4[%swap3A_75, %swap3A_76, %swap3A_77] : memref<8x72x64xi32, #tpu.memory_space<vmem>>, vector<1x1x64xi32>
    %swap3A_79 = vector.shape_cast %swap3A_78 : vector<1x1x64xi32> to vector<64xi32>
    %swap3A_80 = vector.shape_cast %slice3A_74 : vector<64xi32> to vector<1x1x64xi32>
    tpu.vector_store %arg4[%swap3A_75, %swap3A_76, %swap3A_77], %swap3A_80 {strides = array<i32>} : memref<8x72x64xi32, #tpu.memory_space<vmem>>, vector<1x1x64xi32>,
    %slice3A_81 = vector.extract_strided_slice %bitcast_convert_type3A {offsets = [192, 0], sizes = [64, 64], strides = [1, 1]} : vector<512x64xi32> to vector<64x64xi32>
    %swap3A_82 = arith.constant 3 : index
    %swap3A_83 = arith.constant 0 : index
    %swap3A_84 = arith.constant 0 : index
    %swap3A_85 = vector.load %arg4[%swap3A_82, %swap3A_83, %swap3A_84] : memref<8x72x64xi32, #tpu.memory_space<vmem>>, vector<1x64x64xi32>
    %swap3A_86 = vector.shape_cast %swap3A_85 : vector<1x64x64xi32> to vector<64x64xi32>
    %swap3A_87 = vector.shape_cast %slice3A_81 : vector<64x64xi32> to vector<1x64x64xi32>
    tpu.vector_store %arg4[%swap3A_82, %swap3A_83, %swap3A_84], %swap3A_87 {strides = array<i32>} : memref<8x72x64xi32, #tpu.memory_space<vmem>>, vector<1x64x64xi32>,
    %slice3A_88 = vector.extract_strided_slice %reduce_min3A_30 {offsets = [192], sizes = [64], strides = [1]} : vector<512xi32> to vector<64xi32>
    %swap3A_89 = arith.constant 3 : index
    %swap3A_90 = arith.constant 64 : index
    %swap3A_91 = arith.constant 0 : index
    %swap3A_92 = vector.load %arg4[%swap3A_89, %swap3A_90, %swap3A_91] : memref<8x72x64xi32, #tpu.memory_space<vmem>>, vector<1x1x64xi32>
    %swap3A_93 = vector.shape_cast %swap3A_92 : vector<1x1x64xi32> to vector<64xi32>
    %swap3A_94 = vector.shape_cast %slice3A_88 : vector<64xi32> to vector<1x1x64xi32>
    tpu.vector_store %arg4[%swap3A_89, %swap3A_90, %swap3A_91], %swap3A_94 {strides = array<i32>} : memref<8x72x64xi32, #tpu.memory_space<vmem>>, vector<1x1x64xi32>,
    %slice3A_95 = vector.extract_strided_slice %bitcast_convert_type3A {offsets = [256, 0], sizes = [64, 64], strides = [1, 1]} : vector<512x64xi32> to vector<64x64xi32>
    %swap3A_96 = arith.constant 4 : index
    %swap3A_97 = arith.constant 0 : index
    %swap3A_98 = arith.constant 0 : index
    %swap3A_99 = vector.load %arg4[%swap3A_96, %swap3A_97, %swap3A_98] : memref<8x72x64xi32, #tpu.memory_space<vmem>>, vector<1x64x64xi32>
    %swap3A_100 = vector.shape_cast %swap3A_99 : vector<1x64x64xi32> to vector<64x64xi32>
    %swap3A_101 = vector.shape_cast %slice3A_95 : vector<64x64xi32> to vector<1x64x64xi32>
    tpu.vector_store %arg4[%swap3A_96, %swap3A_97, %swap3A_98], %swap3A_101 {strides = array<i32>} : memref<8x72x64xi32, #tpu.memory_space<vmem>>, vector<1x64x64xi32>,
    %slice3A_102 = vector.extract_strided_slice %reduce_min3A_30 {offsets = [256], sizes = [64], strides = [1]} : vector<512xi32> to vector<64xi32>
    %swap3A_103 = arith.constant 4 : index
    %swap3A_104 = arith.constant 64 : index
    %swap3A_105 = arith.constant 0 : index
    %swap3A_106 = vector.load %arg4[%swap3A_103, %swap3A_104, %swap3A_105] : memref<8x72x64xi32, #tpu.memory_space<vmem>>, vector<1x1x64xi32>
    %swap3A_107 = vector.shape_cast %swap3A_106 : vector<1x1x64xi32> to vector<64xi32>
    %swap3A_108 = vector.shape_cast %slice3A_102 : vector<64xi32> to vector<1x1x64xi32>
    tpu.vector_store %arg4[%swap3A_103, %swap3A_104, %swap3A_105], %swap3A_108 {strides = array<i32>} : memref<8x72x64xi32, #tpu.memory_space<vmem>>, vector<1x1x64xi32>,
    %slice3A_109 = vector.extract_strided_slice %bitcast_convert_type3A {offsets = [320, 0], sizes = [64, 64], strides = [1, 1]} : vector<512x64xi32> to vector<64x64xi32>
    %swap3A_110 = arith.constant 5 : index
    %swap3A_111 = arith.constant 0 : index
    %swap3A_112 = arith.constant 0 : index
    %swap3A_113 = vector.load %arg4[%swap3A_110, %swap3A_111, %swap3A_112] : memref<8x72x64xi32, #tpu.memory_space<vmem>>, vector<1x64x64xi32>
    %swap3A_114 = vector.shape_cast %swap3A_113 : vector<1x64x64xi32> to vector<64x64xi32>
    %swap3A_115 = vector.shape_cast %slice3A_109 : vector<64x64xi32> to vector<1x64x64xi32>
    tpu.vector_store %arg4[%swap3A_110, %swap3A_111, %swap3A_112], %swap3A_115 {strides = array<i32>} : memref<8x72x64xi32, #tpu.memory_space<vmem>>, vector<1x64x64xi32>,
    %slice3A_116 = vector.extract_strided_slice %reduce_min3A_30 {offsets = [320], sizes = [64], strides = [1]} : vector<512xi32> to vector<64xi32>
    %swap3A_117 = arith.constant 5 : index
    %swap3A_118 = arith.constant 64 : index
    %swap3A_119 = arith.constant 0 : index
    %swap3A_120 = vector.load %arg4[%swap3A_117, %swap3A_118, %swap3A_119] : memref<8x72x64xi32, #tpu.memory_space<vmem>>, vector<1x1x64xi32>
    %swap3A_121 = vector.shape_cast %swap3A_120 : vector<1x1x64xi32> to vector<64xi32>
    %swap3A_122 = vector.shape_cast %slice3A_116 : vector<64xi32> to vector<1x1x64xi32>
    tpu.vector_store %arg4[%swap3A_117, %swap3A_118, %swap3A_119], %swap3A_122 {strides = array<i32>} : memref<8x72x64xi32, #tpu.memory_space<vmem>>, vector<1x1x64xi32>,
    %slice3A_123 = vector.extract_strided_slice %bitcast_convert_type3A {offsets = [384, 0], sizes = [64, 64], strides = [1, 1]} : vector<512x64xi32> to vector<64x64xi32>
    %swap3A_124 = arith.constant 6 : index
    %swap3A_125 = arith.constant 0 : index
    %swap3A_126 = arith.constant 0 : index
    %swap3A_127 = vector.load %arg4[%swap3A_124, %swap3A_125, %swap3A_126] : memref<8x72x64xi32, #tpu.memory_space<vmem>>, vector<1x64x64xi32>
    %swap3A_128 = vector.shape_cast %swap3A_127 : vector<1x64x64xi32> to vector<64x64xi32>
    %swap3A_129 = vector.shape_cast %slice3A_123 : vector<64x64xi32> to vector<1x64x64xi32>
    tpu.vector_store %arg4[%swap3A_124, %swap3A_125, %swap3A_126], %swap3A_129 {strides = array<i32>} : memref<8x72x64xi32, #tpu.memory_space<vmem>>, vector<1x64x64xi32>,
    %slice3A_130 = vector.extract_strided_slice %reduce_min3A_30 {offsets = [384], sizes = [64], strides = [1]} : vector<512xi32> to vector<64xi32>
    %swap3A_131 = arith.constant 6 : index
    %swap3A_132 = arith.constant 64 : index
    %swap3A_133 = arith.constant 0 : index
    %swap3A_134 = vector.load %arg4[%swap3A_131, %swap3A_132, %swap3A_133] : memref<8x72x64xi32, #tpu.memory_space<vmem>>, vector<1x1x64xi32>
    %swap3A_135 = vector.shape_cast %swap3A_134 : vector<1x1x64xi32> to vector<64xi32>
    %swap3A_136 = vector.shape_cast %slice3A_130 : vector<64xi32> to vector<1x1x64xi32>
    tpu.vector_store %arg4[%swap3A_131, %swap3A_132, %swap3A_133], %swap3A_136 {strides = array<i32>} : memref<8x72x64xi32, #tpu.memory_space<vmem>>, vector<1x1x64xi32>,
    %slice3A_137 = vector.extract_strided_slice %bitcast_convert_type3A {offsets = [448, 0], sizes = [64, 64], strides = [1, 1]} : vector<512x64xi32> to vector<64x64xi32>
    %swap3A_138 = arith.constant 7 : index
    %swap3A_139 = arith.constant 0 : index
    %swap3A_140 = arith.constant 0 : index
    %swap3A_141 = vector.load %arg4[%swap3A_138, %swap3A_139, %swap3A_140] : memref<8x72x64xi32, #tpu.memory_space<vmem>>, vector<1x64x64xi32>
    %swap3A_142 = vector.shape_cast %swap3A_141 : vector<1x64x64xi32> to vector<64x64xi32>
    %swap3A_143 = vector.shape_cast %slice3A_137 : vector<64x64xi32> to vector<1x64x64xi32>
    tpu.vector_store %arg4[%swap3A_138, %swap3A_139, %swap3A_140], %swap3A_143 {strides = array<i32>} : memref<8x72x64xi32, #tpu.memory_space<vmem>>, vector<1x64x64xi32>,
    %slice3A_144 = vector.extract_strided_slice %reduce_min3A_30 {offsets = [448], sizes = [64], strides = [1]} : vector<512xi32> to vector<64xi32>
    %swap3A_145 = arith.constant 7 : index
    %swap3A_146 = arith.constant 64 : index
    %swap3A_147 = arith.constant 0 : index
    %swap3A_148 = vector.load %arg4[%swap3A_145, %swap3A_146, %swap3A_147] : memref<8x72x64xi32, #tpu.memory_space<vmem>>, vector<1x1x64xi32>
    %swap3A_149 = vector.shape_cast %swap3A_148 : vector<1x1x64xi32> to vector<64xi32>
    %swap3A_150 = vector.shape_cast %slice3A_144 : vector<64xi32> to vector<1x1x64xi32>
    tpu.vector_store %arg4[%swap3A_145, %swap3A_146, %swap3A_147], %swap3A_150 {strides = array<i32>} : memref<8x72x64xi32, #tpu.memory_space<vmem>>, vector<1x1x64xi32>,
    %eq3A_151 = arith.constant 0 : i32
    %eq3A_152 = arith.cmpi eq, %arg0, %eq3A_151 : i32
    %convert_element_type3A = arith.extui %eq3A_152 : i1 to i32
    %cond3A = arith.constant 0 : i32
    %cond3A_153 = arith.cmpi ne, %convert_element_type3A, %cond3A : i32
    scf.if %cond3A_153 {
      %mul3A_154 = arith.constant 1.000000e-01 : f32
      %mul3A_155 = vector.broadcast %mul3A_154 : f32 to vector<1024x64xf32>
      %mul3A_156 = arith.mulf %mul3A_155, %get3A_6 : vector<1024x64xf32>
      %swap3A_157 = arith.constant 0 : index
      %swap3A_158 = arith.constant 0 : index
      %swap3A_159 = vector.load %arg6[%swap3A_157, %swap3A_158] : memref<1024x64xf32, #tpu.memory_space<vmem>>, vector<1024x64xf32>
      tpu.vector_store %arg6[%swap3A_157, %swap3A_158], %mul3A_156 {strides = array<i32>} : memref<1024x64xf32, #tpu.memory_space<vmem>>, vector<1024x64xf32>,
    } else {
    }
    return
  }
  func.func @transform_0(%arg0: i32) -> (i32, i32, i32) {
    %c0_i32 = arith.constant 0 : i32
    %c0_i32_0 = arith.constant 0 : i32
    %c0_i32_1 = arith.constant 0 : i32
    return %arg0, %c0_i32, %c0_i32_0 : i32, i32, i32
  }
  func.func @transform_1(%arg0: i32) -> (i32, i32, i32) {
    %c0_i32 = arith.constant 0 : i32
    %c0_i32_0 = arith.constant 0 : i32
    %c0_i32_1 = arith.constant 0 : i32
    %c0_i32_2 = arith.constant 0 : i32
    return %c0_i32, %c0_i32_0, %c0_i32_1 : i32, i32, i32
  }
  func.func @transform_2(%arg0: i32) -> (i32, i32) {
    %c0_i32 = arith.constant 0 : i32
    %c0_i32_0 = arith.constant 0 : i32
    %c0_i32_1 = arith.constant 0 : i32
    return %c0_i32, %c0_i32_0 : i32, i32
  }
  func.func @transform_3(%arg0: i32) -> (i32, i32, i32) {
    %c0_i32 = arith.constant 0 : i32
    %c0_i32_0 = arith.constant 0 : i32
    %c0_i32_1 = arith.constant 0 : i32
    return %arg0, %c0_i32, %c0_i32_0 : i32, i32, i32
  }
  func.func @transform_4(%arg0: i32) -> (i32, i32, i32) {
    %c0_i32 = arith.constant 0 : i32
    %c0_i32_0 = arith.constant 0 : i32
    %c0_i32_1 = arith.constant 0 : i32
    return %arg0, %c0_i32, %c0_i32_0 : i32, i32, i32
  }
  func.func @transform_5(%arg0: i32) -> (i32, i32) {
    %c0_i32 = arith.constant 0 : i32
    %c0_i32_0 = arith.constant 0 : i32
    %c0_i32_1 = arith.constant 0 : i32
    return %c0_i32, %c0_i32_0 : i32, i32
  }
}

module attributes {stable_mosaic.version = 14 : i64} {
  func.func @_q_body(%arg0: i32, %arg1: memref<1x512x64xf32, #tpu.memory_space<vmem>>, %arg2: memref<1x512x1xf32, #tpu.memory_space<vmem>>, %arg3: memref<1024x64xf32, #tpu.memory_space<vmem>>, %arg4: memref<512x1024xf32, #tpu.memory_space<vmem>>, %arg5: memref<32x32x64xf32, #tpu.memory_space<vmem>>) attributes {dimension_semantics = [#tpu.dimension_semantics<arbitrary>], iteration_bounds = array<i64: 4>, scalar_prefetch = 0 : i64, scratch_operands = 0 : i64, tpu.core_type = #tpu.core_type<tc>, window_params = [{transform_indices = @transform_0, window_bounds = array<i64: 1, 512, 64>}, {pipeline_mode = #tpu.pipeline_mode<synchronous>, transform_indices = @transform_1, window_bounds = array<i64: 1, 512, 1>}, {pipeline_mode = #tpu.pipeline_mode<synchronous>, transform_indices = @transform_2, window_bounds = array<i64: 1024, 64>}, {transform_indices = @transform_3, window_bounds = array<i64: 512, 1024>}, {pipeline_mode = #tpu.pipeline_mode<synchronous>, transform_indices = @transform_4, window_bounds = array<i64: 32, 32, 64>}]} {
    %get3A = arith.constant 0 : index
    %get3A_0 = arith.constant 0 : index
    %get3A_1 = vector.load %arg3[%get3A, %get3A_0] : memref<1024x64xf32, #tpu.memory_space<vmem>>, vector<1024x64xf32>
    %get3A_2 = arith.constant 0 : index
    %get3A_3 = arith.constant 0 : index
    %get3A_4 = arith.constant 0 : index
    %get3A_5 = vector.load %arg1[%get3A_2, %get3A_3, %get3A_4] : memref<1x512x64xf32, #tpu.memory_space<vmem>>, vector<1x512x64xf32>
    %get3A_6 = vector.shape_cast %get3A_5 : vector<1x512x64xf32> to vector<512x64xf32>
    %get3A_7 = arith.constant 0 : index
    %get3A_8 = arith.constant 0 : index
    %get3A_9 = arith.constant 0 : index
    %get3A_10 = vector.load %arg2[%get3A_7, %get3A_8, %get3A_9] : memref<1x512x1xf32, #tpu.memory_space<vmem>>, vector<1x512x1xf32>
    %get3A_11 = vector.shape_cast %get3A_10 : vector<1x512x1xf32> to vector<512x1xf32>
    %mul3A = vector.broadcast %get3A_11 : vector<512x1xf32> to vector<512x64xf32>
    %mul3A_12 = arith.mulf %get3A_6, %mul3A : vector<512x64xf32>
    %mul3A_13 = arith.mulf %mul3A_12, %mul3A_12 : vector<512x64xf32>
    %reduce_sum3A = arith.constant dense<0.000000e+00> : vector<512xf32>
    %reduce_sum3A_14 = vector.multi_reduction <add>, %mul3A_13, %reduce_sum3A [1] : vector<512x64xf32> to vector<512xf32>
    %broadcast_in_dim3A = vector.shape_cast %reduce_sum3A_14 : vector<512xf32> to vector<512x1xf32>
    %mul3A_15 = arith.mulf %get3A_1, %get3A_1 : vector<1024x64xf32>
    %reduce_sum3A_16 = arith.constant dense<0.000000e+00> : vector<1024xf32>
    %reduce_sum3A_17 = vector.multi_reduction <add>, %mul3A_15, %reduce_sum3A_16 [1] : vector<1024x64xf32> to vector<1024xf32>
    %broadcast_in_dim3A_18 = vector.shape_cast %reduce_sum3A_17 : vector<1024xf32> to vector<1x1024xf32>
    %dot_general3A = arith.constant dense<0.000000e+00> : vector<512x1024xf32>
    %dot_general3A_19 = tpu.matmul %mul3A_12, %get3A_1, %dot_general3A {dimension_numbers = #tpu.dot_dimension_numbers<[1], [1], [0], [0], [0, 0, 1, 0], [], []>, precision = #tpu.contract_precision<fp32>, transpose_lhs_hint = false} : vector<512x64xf32>, vector<1024x64xf32>, vector<512x1024xf32> -> vector<512x1024xf32>
    %add3A = vector.broadcast %broadcast_in_dim3A : vector<512x1xf32> to vector<512x1024xf32>
    %add3A_20 = vector.broadcast %broadcast_in_dim3A_18 : vector<1x1024xf32> to vector<512x1024xf32>
    %add3A_21 = arith.addf %add3A, %add3A_20 : vector<512x1024xf32>
    %mul3A_22 = arith.constant 2.000000e+00 : f32
    %mul3A_23 = vector.broadcast %mul3A_22 : f32 to vector<512x1024xf32>
    %mul3A_24 = arith.mulf %mul3A_23, %dot_general3A_19 : vector<512x1024xf32>
    %sub3A = arith.subf %add3A_21, %mul3A_24 : vector<512x1024xf32>
    %max3A = arith.constant 0.000000e+00 : f32
    %max3A_25 = vector.broadcast %max3A : f32 to vector<512x1024xf32>
    %max3A_26 = arith.maximumf %sub3A, %max3A_25 : vector<512x1024xf32>
    %sqrt3A = math.sqrt %max3A_26 : vector<512x1024xf32>
    %div3A = arith.constant 1.000000e+00 : f32
    %div3A_27 = vector.broadcast %div3A : f32 to vector<512x1024xf32>
    %div3A_28 = arith.divf %sqrt3A, %div3A_27 : vector<512x1024xf32>
    %add3A_29 = arith.constant 1.000000e+00 : f32
    %add3A_30 = vector.broadcast %add3A_29 : f32 to vector<512x1024xf32>
    %add3A_31 = arith.addf %add3A_30, %div3A_28 : vector<512x1024xf32>
    %div3A_32 = arith.constant 1.000000e+00 : f32
    %div3A_33 = vector.broadcast %div3A_32 : f32 to vector<512x1024xf32>
    %div3A_34 = arith.divf %div3A_33, %add3A_31 : vector<512x1024xf32>
    %reduce_sum3A_35 = arith.constant dense<0.000000e+00> : vector<512xf32>
    %reduce_sum3A_36 = vector.multi_reduction <add>, %div3A_34, %reduce_sum3A_35 [1] : vector<512x1024xf32> to vector<512xf32>
    %broadcast_in_dim3A_37 = vector.shape_cast %reduce_sum3A_36 : vector<512xf32> to vector<512x1xf32>
    %max3A_38 = arith.constant 9.99999996E-13 : f32
    %max3A_39 = vector.broadcast %max3A_38 : f32 to vector<512x1xf32>
    %max3A_40 = arith.maximumf %broadcast_in_dim3A_37, %max3A_39 : vector<512x1xf32>
    %div3A_41 = vector.broadcast %max3A_40 : vector<512x1xf32> to vector<512x1024xf32>
    %div3A_42 = arith.divf %div3A_34, %div3A_41 : vector<512x1024xf32>
    %swap3A = arith.constant 0 : index
    %swap3A_43 = arith.constant 0 : index
    %swap3A_44 = vector.load %arg4[%swap3A, %swap3A_43] : memref<512x1024xf32, #tpu.memory_space<vmem>>, vector<512x1024xf32>
    tpu.vector_store %arg4[%swap3A, %swap3A_43], %div3A_42 {strides = array<i32>} : memref<512x1024xf32, #tpu.memory_space<vmem>>, vector<512x1024xf32>,
    %eq3A = arith.constant 0 : i32
    %eq3A_45 = arith.cmpi eq, %arg0, %eq3A : i32
    %convert_element_type3A = arith.extui %eq3A_45 : i1 to i32
    %cond3A = arith.constant 0 : i32
    %cond3A_46 = arith.cmpi ne, %convert_element_type3A, %cond3A : i32
    scf.if %cond3A_46 {
      %reshape3A = vector.shape_cast %get3A_1 : vector<1024x64xf32> to vector<32x32x64xf32>
      %swap3A_47 = arith.constant 0 : index
      %swap3A_48 = arith.constant 0 : index
      %swap3A_49 = arith.constant 0 : index
      %swap3A_50 = vector.load %arg5[%swap3A_47, %swap3A_48, %swap3A_49] : memref<32x32x64xf32, #tpu.memory_space<vmem>>, vector<32x32x64xf32>
      tpu.vector_store %arg5[%swap3A_47, %swap3A_48, %swap3A_49], %reshape3A {strides = array<i32>} : memref<32x32x64xf32, #tpu.memory_space<vmem>>, vector<32x32x64xf32>,
    } else {
    }
    return
  }
  func.func @transform_0(%arg0: i32) -> (i32, i32, i32) {
    %c0_i32 = arith.constant 0 : i32
    %c0_i32_0 = arith.constant 0 : i32
    %c0_i32_1 = arith.constant 0 : i32
    return %arg0, %c0_i32, %c0_i32_0 : i32, i32, i32
  }
  func.func @transform_1(%arg0: i32) -> (i32, i32, i32) {
    %c0_i32 = arith.constant 0 : i32
    %c0_i32_0 = arith.constant 0 : i32
    %c0_i32_1 = arith.constant 0 : i32
    %c0_i32_2 = arith.constant 0 : i32
    return %c0_i32, %c0_i32_0, %c0_i32_1 : i32, i32, i32
  }
  func.func @transform_2(%arg0: i32) -> (i32, i32) {
    %c0_i32 = arith.constant 0 : i32
    %c0_i32_0 = arith.constant 0 : i32
    %c0_i32_1 = arith.constant 0 : i32
    return %c0_i32, %c0_i32_0 : i32, i32
  }
  func.func @transform_3(%arg0: i32) -> (i32, i32) {
    %c0_i32 = arith.constant 0 : i32
    %c0_i32_0 = arith.constant 0 : i32
    return %arg0, %c0_i32 : i32, i32
  }
  func.func @transform_4(%arg0: i32) -> (i32, i32, i32) {
    %c0_i32 = arith.constant 0 : i32
    %c0_i32_0 = arith.constant 0 : i32
    %c0_i32_1 = arith.constant 0 : i32
    %c0_i32_2 = arith.constant 0 : i32
    return %c0_i32, %c0_i32_0, %c0_i32_1 : i32, i32, i32
  }
}

</mosaic_0001>

<sc_bundles>
// kernel: kernel.5.cloned.1.call-start
scs
__scs_entry_jumppad:
0x0: {  	(pc) =	sbr.rel $0x88, $3  }
0x1: {  	(tag) =	ssettag $0x0;
	lr =	simm.s32 $0x1  }
0x2: {  	[smem:$0x3F9F] =	sst lr;
	_ =	strace $0xD0000000  }
0x3: {  	_ = 	snop  }
0x4: {  	_ = 	snop  }
0x5: {  	_ = 	snop  }
0x6: {  	_ = 	snop  }
0x7: {  	_ = 	snop  }
__scs_overlays_trampoline_lowered:
0x8: {  	[smem:$0x3FAE] =	sst s0  }
0x9: {  	[smem:$0x3FAF] =	sst s1  }
0xa: {  	[smem:$0x3FB0] =	sst s2  }
0xb: {  	[smem:$0x3FB1] =	sst s3  }
0xc: {  	[smem:$0x3FB2] =	sst s4  }
0xd: {  	[smem:$0x3FB3] =	sst s5  }
0xe: {  	[smem:$0x3FB4] =	sst s6  }
0xf: {  	[smem:$0x3FB5] =	sst s7  }
0x10: {  	[smem:$0x3FB6] =	sst s8  }
0x11: {  	[smem:$0x3FB7] =	sst s9;
	s0 =	simm.s32 @!p0 $0x0  }
0x12: {  	s1 =	sld [smem:$0x3F9D];
	s0 =	simm.s32 @p0 $0x1  }
0x13: {  	[smem:$0x3FB8] =	sst s0;
	s0 =	simm.s32 @!p1 $0x0  }
0x14: {  	s2 =	sld [smem:$0x3F9C];
	s0 =	simm.s32 @p1 $0x1  }
0x15: {  	[smem:$0x3FB9] =	sst s0;
	s0 =	simm.s32 @!p2 $0x0  }
0x16: {  	s3 =	sld [smem:$0x3FDB];
	s0 =	simm.s32 @p2 $0x1  }
0x17: {  	s4 =	simm.s32 $0x1BF5;
	[smem:$0x3FBB] =	sst s0  }
0x18: {  	s0 =	sld [smem:$0x3F9E];
	_ =	swait.ge [sflag:s4], $0x0  }
0x19: {  	s7 =	sld [smem:$0x3F9F]  }
0x1a: {  	s8 =	sadd.s32 $0xFFFFE003, lr  }
0x1b: {  	s9 =	sadd.s32 $0xFFFFFEF7, lr;
	s5 =	simm.s32 $0xFFFFFFFF;
	p2 =	slt.u32 s8, $0xFFFFF086  }
0x1c: {  	p1 =	slt.u32 s9, $0xF7A;
	s5 =	simm.s32 @!p2 $0x0  }
0x1d: {  	s5 =	simm.s32 @p1 $0x1;
	p0 =	seq.s32 s7, s2  }
0x1e: {  	s7 =	smul.u32 @!p0 $0xF7A, s2;
	p2 =	seq.s32 @!p0 s5, $0x0  }
0x1f: {  	s9 =	smul.u32 $0xF7A, s1;
	s8 =	simm.s32 @!p0 $0x1BF5;
	p2 =	por !p2, p0  }
0x20: {  	[sflag:s8] =	ssyncset.s32 @!p0 $0xFFFFF086;
	s6 =	sadd.s32 @!p0 s3, s7;
	s7 =	simm.s32 @!p0 $0x108  }
0x21: {  	s3 =	sadd.s32 s3, s9;
	s6 =	sadd.s32 @!p0 $0x88, s6;
	s7 =	simm.s32 @p2 $0x1082  }
0x22: {  	[simem:s7], [sflag:s8] =	dma.local @!p0 [hbm:s6], $0xF7A  }
0x23: {  	s9 =	sor.u32 $0xD0000000, s2;
	s6 =	simm.s32 $0x108;
	_ =	swait.ge @!p0 [sflag:s8], $0x0  }
0x24: {  	s3 =	sadd.s32 $0x88, s3;
	s6 =	simm.s32 @!p1 $0x1082;
	[sflag:s4] =	ssyncset.s32 $0xFFFFF086  }
0x25: {  	[simem:s6], [sflag:s4] =	dma.local [hbm:s3], $0xF7A  }
0x26: {  	[smem:$0x3F9F] =	sst s1;
	(tag) =	ssettag s2;
	_ =	strace s9  }
0x27: {  	s1 =	sld [smem:$0x3FAF]  }
0x28: {  	s2 =	sld [smem:$0x3FB0]  }
0x29: {  	s4 =	sld [smem:$0x3FB2]  }
0x2a: {  	p0 =	seq.s32 s5, $0x0;
	s5 =	sld [smem:$0x3FB3]  }
0x2b: {  	s6 =	sld [smem:$0x3FB4]  }
0x2c: {  	s7 =	sld [smem:$0x3FB5]  }
0x2d: {  	s3 =	simm.s32 $0x108;
	s8 =	sld [smem:$0x3FB6]  }
0x2e: {  	s3 =	simm.s32 @!p0 $0x1082;
	s9 =	sld [smem:$0x3FB7]  }
0x2f: {  	lr =	sadd.s32 s0, s3;
	s0 =	sld [smem:$0x3FAE]  }
0x30: {  	s3 =	sld [smem:$0x3FB1]  }
0x31: {  	[smem:$0x3FBA] =	sst s10  }
0x32: {  	s10 =	sld [smem:$0x3FB8];
	_ =	sdelay $0x3  }
0x33: {  	p0 =	seq.s32 s10, $0x1;
	s10 =	sld [smem:$0x3FBA];
	_ =	sdelay $0x3  }
0x34: {  	[smem:$0x3FBA] =	sst s10  }
0x35: {  	s10 =	sld [smem:$0x3FB9];
	_ =	sdelay $0x3  }
0x36: {  	p1 =	seq.s32 s10, $0x1;
	s10 =	sld [smem:$0x3FBA];
	_ =	sdelay $0x3  }
0x37: {  	[smem:$0x3FBA] =	sst s10  }
0x38: {  	s10 =	sld [smem:$0x3FBB]  }
0x39: {  	_ = 	snop;
	(pc) =	sbr.ind lr, $3  }
0x3a: {  	_ = 	snop  }
0x3b: {  	_ = 	snop  }
0x3c: {  	p2 =	seq.s32 s10, $0x1;
	s10 =	sld [smem:$0x3FBA]  }
0x3d: {  	_ =	shalt  }
0x3e: {  	_ =	shalt  }
0x3f: {  	_ =	shalt  }
0x40: {  	_ =	shalt  }
0x41: {  	_ =	shalt  }
0x42: {  	_ =	shalt  }
0x43: {  	_ =	shalt  }
0x44: {  	_ =	shalt  }
0x45: {  	_ =	shalt  }
0x46: {  	_ =	shalt  }
0x47: {  	_ =	shalt  }
0x48: {  	_ =	shalt  }
0x49: {  	_ =	shalt  }
0x4a: {  	_ =	shalt  }
0x4b: {  	_ =	shalt  }
0x4c: {  	_ =	shalt  }
0x4d: {  	_ =	shalt  }
0x4e: {  	_ =	shalt  }
0x4f: {  	_ =	shalt  }
0x50: {  	_ =	shalt  }
0x51: {  	_ =	shalt  }
0x52: {  	_ =	shalt  }
0x53: {  	_ =	shalt  }
0x54: {  	_ =	shalt  }
0x55: {  	_ =	shalt  }
0x56: {  	_ =	shalt  }
0x57: {  	_ =	shalt  }
0x58: {  	_ =	shalt  }
0x59: {  	_ =	shalt  }
0x5a: {  	_ =	shalt  }
0x5b: {  	_ =	shalt  }
0x5c: {  	_ =	shalt  }
0x5d: {  	_ =	shalt  }
0x5e: {  	_ =	shalt  }
0x5f: {  	_ =	shalt  }
0x60: {  	_ =	shalt  }
0x61: {  	_ =	shalt  }
0x62: {  	_ =	shalt  }
0x63: {  	_ =	shalt  }
0x64: {  	_ =	shalt  }
0x65: {  	_ =	shalt  }
0x66: {  	_ =	shalt  }
0x67: {  	_ =	shalt  }
0x68: {  	_ =	shalt  }
0x69: {  	_ =	shalt  }
0x6a: {  	_ =	shalt  }
0x6b: {  	_ =	shalt  }
0x6c: {  	_ =	shalt  }
0x6d: {  	_ =	shalt  }
0x6e: {  	_ =	shalt  }
0x6f: {  	_ =	shalt  }
0x70: {  	_ =	shalt  }
0x71: {  	_ =	shalt  }
0x72: {  	_ =	shalt  }
0x73: {  	_ =	shalt  }
0x74: {  	_ =	shalt  }
0x75: {  	_ =	shalt  }
0x76: {  	_ =	shalt  }
0x77: {  	_ =	shalt  }
0x78: {  	_ =	shalt  }
0x79: {  	_ =	shalt  }
0x7a: {  	_ =	shalt  }
0x7b: {  	_ =	shalt  }
0x7c: {  	_ =	shalt  }
0x7d: {  	_ =	shalt  }
0x7e: {  	_ =	shalt  }
0x7f: {  	_ =	shalt  }
0x80: {  	_ =	shalt  }
0x81: {  	_ =	shalt  }
0x82: {  	_ =	shalt  }
0x83: {  	_ =	shalt  }
0x84: {  	_ =	shalt  }
0x85: {  	_ =	shalt  }
0x86: {  	_ =	shalt  }
0x87: {  	_ =	shalt  }
.Lfunc_end0:
.L_simem_size_0:
called_computation_lowered:
.L_overlay_start_0:
0x88: {  	s2 =	sld [smem:$0x3FD9]  }
0x89: {  	s3 =	sld [smem:$0x3FFE];
	_ =	sdelay $0x1  }
0x8a: {  	s1 =	srdreg.scid  }
0x8b: {  	s0 =	sand.u32 $0x1, s1  }
0x8c: {  	s14 =	sshll.u32 s0, $0xA;
	s2 =	sadd.s32 s3, s2  }
0x8d: {  	s2 =	sadd.s32 s2, s14  }
0x8e: {  	[smem:$0x3FC6] =	sst s2  }
0x8f: {  	_ = 	snop  }
0x90: {  	s2 =	sld [smem:$0x3FD0];
	_ =	sdelay $0x2  }
0x91: {  	s15 =	simm.s32 $0xA;
	s4 =	simm.s32 $0x10  }
0x92: {  	[smem:s4], [sflag:s15] =	dma.local [hbm:s2], $0x1  }
0x93: {  	_ =	swait.eq [sflag:s15], $0x1  }
0x94: {  	[sflag:s15] =	ssyncset.done $0x0  }
0x95: {  	[sflag:s15] =	ssyncadd.s32 $0xFFFFFFFF  }
0x96: {  	s16 =	sld [smem:$0x10];
	(tm) =	ssettm $0x1  }
0x97: {  	s17 =	sld [smem:$0x3FFB];
	_ =	sdelay $0x3  }
0x98: {  	_ =	strace s17  }
0x99: {  	s3 =	sld [smem:$0x3FFC];
	_ =	sdelay $0x3  }
0x9a: {  	_ =	strace s3  }
0x9b: {  	s3 =	sld [smem:$0x3FFD];
	_ =	sdelay $0x3  }
0x9c: {  	_ =	strace s3  }
0x9d: {  	_ =	strace $0x8FFFFFFF  }
0x9e: {  	s18 =	sld [smem:$0x3FDB];
	_ =	sdelay $0x1  }
0x9f: {  	s19 =	simm.s32 $_scs_section_size  }
0xa0: {  	s5 =	simm.s32 $_size__tile_overlayer_lowered;
	s6 =	simm.s32 $_tile_overlayer_lowered  }
0xa1: {  	s22 =	simm.s32 $0x1BFF;
	s21 =	sshll.u32 s6, $0x1;
	s3 =	sadd.s32 s19, s18  }
0xa2: {  	s7 =	simm.s32 $0x0;
	s20 =	sshll.u32 s5, $0x1;
	s5 =	sadd.s32 s21, s3  }
0xa3: {  	[timem:s7], [sflag:s22] =	dma.local [hbm:s5], s20  }
0xa4: {  	_ =	swait.ge [sflag:s22], s20  }
0xa5: {  	s4 =	ssub.s32 $0x0, s20;
	[sflag:s22] =	ssyncset.done $0x0  }
0xa6: {  	[sflag:s22] =	ssyncadd.s32 s4;
	_ =	sdelay $0x1  }
0xa7: {  	s23 =	simm.s32 $0x1B8B  }
0xa8: {  	_ =	swait.ge [sflag:s23], $0x1  }
0xa9: {  	[sflag:s23] =	ssyncset.done $0x0  }
0xaa: {  	s25 =	simm.s32 $0x1B8E;
	s24 =	sld [smem:$0x3FFE];
	[sflag:s23] =	ssyncadd.s32 $0xFFFFFFFF  }
0xab: {  	s26 =	simm.s32 $execute0_lowered;
	[smem:$0x3FD2] =	sst s25  }
0xac: {  	s5 =	sshll.u32 s26, $0x1;
	_ =	strace $0x80000046;
	[dreg:$0x1] =	wrdreg $0xFFFFFFFF  }
0xad: {  	s28 =	simm.s32 $_size_execute0_lowered;
	s3 =	sadd.s32 s3, s5;
	[dreg:$0x0] =	wrdreg $0x0  }
0xae: {  	s5 =	sshll.u32 s28, $0x1;
	[dreg:$0x2] =	wrdreg s3  }
0xaf: {  	[dreg:$0x3] =	wrdreg s5  }
0xb0: {  	[dreg:$0x4] =	wrdreg $0xC0  }
0xb1: {  	_ =	task [dreg:s7], $0x5FFFF  }
0xb2: {  	[dreg:$0x1] =	wrdreg $0xFFFFFFFF  }
0xb3: {  	[dreg:$0x0] =	wrdreg $0x60  }
0xb4: {  	[dreg:$0x2] =	wrdreg s24  }
0xb5: {  	[dreg:$0x3] =	wrdreg s16  }
0xb6: {  	[dreg:$0x4] =	wrdreg $0x9  }
0xb7: {  	_ =	task.clear_ibuf [dreg:s7], $0x5FFFF;
	_ =	strace $0x90000046  }
0xb8: {  	s29 =	simm.s32 $0x9;
	_ =	strace $0x80000048  }
0xb9: {  	_ =	swait.ge [sflag:s29], $0x1  }
0xba: {  	[sflag:s29] =	ssyncadd.s32 $0xFFFFFFFF  }
0xbb: {  	_ =	strace $0x90000048  }
0xbc: {  	_ =	sfence  }
0xbd: {  	s30 =	sld [smem:$0x0];
	_ =	sdelay $0x2  }
0xbe: {  	s31 =	sshll.u32 s1, $0xD;
	s1 =	sshrl.u32 s1, $0x2  }
0xbf: {  	s3 =	sand.u32 $0x4000, s31;
	s1 =	sadd.s32 s1, s30  }
0xc0: {  	s0 =	sor.u32 s3, s0;
	s1 =	sshll.u32 s1, $0x11  }
0xc1: {  	s0 =	sor.u32 s1, s0  }
0xc2: {  	s0 =	sadd.s32 $0x8F2B, s0  }
0xc3: {  	[sflag:s0] =	ssyncadd.remote.s32 $0x1  }
0xc4: {  	_ =	sfence.sel $0xFFFF  }
0xc5: {  	[dreg:$0x0] =	wrdreg $0xFFFFFFFF;
	(pc) =	sbr.abs _section_cstart, $3  }
0xc6: {  	[dreg:$0x1] =	wrdreg $0xFFFFFFFF  }
0xc7: {  	_ =	task.clear_ibuf [dreg:s7], $0x2FFFF;
	_ =	strace $0x9FFFFFFF  }
0xc8: {  	(tm) =	ssettm $0x7FFFFFFF  }
0xc9: {  	_ =	shalt  }
tec
execute0_lowered:
.L_overlay_start_1:
0x0: {  	(tag) =	ssettag $0x1  }
0x1: {  	s4 =	rddreg [dreg:$0x0];
	s1 =	srdreg.scid  }
0x2: {  	s0 =	stileid.u32;
	s5 =	rddreg [dreg:$0x1]  }
0x3: {  	s2 =	simm.s32 $0x0;
	s10 =	simm.s32 $0x1200;
	s11 =	simm.s32 $0x1  }
0x4: {  	s12 =	simm.s32 $0x0;
	s6 =	sand.u32 $0x1, s1;
	s1 =	rddreg [dreg:$0x2]  }
0x5: {  	s3 =	sshll.u32 s0, $0x1;
	[smem:$0x7FF] =	sst s2;
	s31 =	sshll.u32 s0, $0xA  }
0x6: {  	s7 =	sor.u32 s6, s3;
	_ =	strace $0x80000047;
	s6 =	ssub.s32 $0x2, s6  }
0x7: {  	s8 =	smul.u32 $0x240, s7;
	s9 =	sshrl.u32 s6, $0x1;
	s7 =	sshll.u32 s7, $0x9  }
0x8: {  	s3 =	sadd.s32 $0x800, s4;
	s6 =	ssub.s32 s6, s9;
	s7 =	sand.u32 $0xE00, s7  }
0x9: {  	s9 =	simm.s32 $0x1000;
	s4 =	sadd.s32 s8, s4;
	s8 =	sand.u32 $0x3000, s31  }
0xa: {  	s6 =	smax.u32 s6, $0x1;
	s5 =	sadd.s32 s5, s8;
	s4 =	sadd.s32 $0x2800, s4  }
0xb: {  	s8 =	simm.s32 $0x40;
	s5 =	sadd.s32 s7, s5;
	s7 =	simm.s32 $0x2  }
.LBB2_1:
0xc: {  	[tilespmem:s2], [sflag:$0x2] =	stream.linear.gather [hbm4b:s4+s2], $0x1200, $0x38;
	[tilespmem:$0x2200] =	vst v63  }
0xd: {  	_ =	swait.ge [sflag:s7], $0x1200  }
0xe: {  	[sflag:s7] =	ssyncset.done $0x0  }
0xf: {  	s13 =	simm.s32 $0x0;
	[sflag:s7] =	ssyncadd.s32 $0xFFFFEE00  }
0x10: {  	v0 =	vld [tilespmem:s13+$0x30]  }
0x11: {  	v1 =	vld [tilespmem:s13+$0x0]  }
0x12: {  	v2 =	vld [tilespmem:s13+$0x10]  }
0x13: {  	s14 =	simm.s32 $0x100;
	v3 =	vld [tilespmem:s13+$0x20]  }
.LBB2_2:
0x14: {  	p0 =	sne.s32 s14, $0x3F00  }
.Ltmp0:
0x15: {  	s15 =	sshra.s32 s14, $0x2;
	s14 =	sadd.s32 $0x100, s14;
	[tilespmem:s13+$0x1230] =	vst v0;
	(pc) =	sbr.rel @p0 .LBB2_2-.Ltmp0, $4  }
0x16: {  	v0 =	vld [tilespmem:s15+$0x30];
	[tilespmem:s13+$0x1200] =	vst v1  }
0x17: {  	v1 =	vld [tilespmem:s15+$0x0];
	[tilespmem:s13+$0x1210] =	vst v2  }
0x18: {  	v2 =	vld [tilespmem:s15+$0x10];
	[tilespmem:s13+$0x1220] =	vst v3;
	s13 =	smov.u32 s15  }
0x19: {  	v3 =	vld [tilespmem:s13+$0x20]  }
0x1a: {  	_ = 	snop  }
0x1b: {  	[tilespmem:s13+$0x1230] =	vst v0  }
0x1c: {  	[tilespmem:s13+$0x1200] =	vst v1  }
0x1d: {  	[tilespmem:s13+$0x1210] =	vst v2  }
0x1e: {  	[tilespmem:s13+$0x1220] =	vst v3  }
0x1f: {  	[tilespmem:s10], [sflag:$0x1] =	stream.indirect.gather.add.f32 [hbm:s3], $0x40, s9, s8, $0xb8;
	[tilespmem:$0x2200] =	vst v63  }
0x20: {  	s12 =	sadd.s32 $0x1, s12;
	_ =	swait.ge [sflag:s11], $0x1000  }
0x21: {  	p0 =	sne.s32 s12, s6;
	[sflag:s11] =	ssyncset.done $0x0  }
.Ltmp1:
0x22: {  	[sflag:s11] =	ssyncadd.s32 $0xFFFFF000;
	(pc) =	sbr.rel @p0 .LBB2_1-.Ltmp1, $4  }
0x23: {  	[hbm4b:s5+s2] =	stream.linear.scatter [tilespmem:s10], [sflag:$0x2], $0x1000, $0x38;
	[tilespmem:$0x2200] =	vst v63  }
0x24: {  	_ =	swait.ge [sflag:s7], $0x1000  }
0x25: {  	[sflag:s7] =	ssyncset.done $0x0  }
0x26: {  	[sflag:s7] =	ssyncadd.s32 $0xFFFFF000  }
0x27: {  	_ =	sfence.sel $0x180000  }
0x28: {  	[bflag:$0x0] =	sbarrier.arrive $0xFFFF  }
0x29: {  	p0 =	sne.s32 s0, $0x0;
	_ =	strace $0x90000047  }
0x2a: {  	s0 =	sadd.s32 @!p0 $0x100000, s1;
	[bflag:$0x2] =	sbarrier.arrive $0xFFFF  }
0x2b: {  	[sflag:s0] =	ssyncadd.tile.s32 @!p0 $0x1;
	_ =	shalt  }
.Lfunc_end2:
_tile_overlayer_lowered:
.L_overlay_start_2:
0x2c: {  	(tag) =	ssettag $0x2  }
0x2d: {  	s0 =	rddreg [dreg:$0x0];
	s2 =	stileid.u32  }
0x2e: {  	s1 =	rddreg [dreg:$0x1];
	p0 =	sne.s32 s2, $0x0  }
0x2f: {  	s3 =	rddreg [dreg:$0x2];
	[bflag:$0x3] =	sbarrier.arrive $0xFFFF;
	s2 =	simm.s32 @!p0 $0x1C02  }
0x30: {  	[timem:s3], [sflag:s2] =	dma.local @!p0 [hbm:s0], s1  }
0x31: {  	s0 =	simm.s32 @!p0 $0x2  }
0x32: {  	_ =	swait.ge @!p0 [sflag:s0], s1  }
0x33: {  	s1 =	ssub.s32 @!p0 $0x0, s1;
	[sflag:s0] =	ssyncset.done @!p0 $0x0  }
0x34: {  	[sflag:s0] =	ssyncadd.s32 @!p0 s1  }
0x35: {  	[bflag:$0x3] =	sbarrier.arrive $0xFFFF  }
0x36: {  	_ =	shalt  }

</sc_bundles>
